<compile_context>
chip_gen: v7x
topology: tpu7x:2x2x1
jax: 0.10.2.dev20260603
libtpu: 0.0.44.dev20260713+nightly
codegen_flags: <defaults>
</compile_context>

<pallas_src>
import functools

import jax
import jax.numpy as jnp
from jax import lax
from jax.experimental import pallas as pl
from jax.experimental.pallas import tpu as pltpu
from jax.experimental.pallas import tpu_sc as plsc

_C = 55
_EPS = 1e-05
_CPAD = 64
_LANES = 16
_NC = 2
_NS = 16
_NW = _NC * _NS
_REGW = _CPAD * _LANES
_HISTW = 2 * _REGW
_UNROLL = 8


def _sc_histograms(inp_flat, tgt_flat):
    n = inp_flat.shape[0]
    chunk = n // _NW
    iters = chunk // _LANES
    mesh = plsc.VectorSubcoreMesh(core_axis_name="c", subcore_axis_name="s")

    @functools.partial(
        pl.kernel,
        mesh=mesh,
        out_type=jax.ShapeDtypeStruct((_NW, _HISTW), jnp.int32),
        scratch_types=[
            pltpu.VMEM((chunk,), jnp.float32),
            pltpu.VMEM((chunk,), jnp.int32),
            pltpu.VMEM((_HISTW,), jnp.int32),
            pltpu.SemaphoreType.DMA,
            pltpu.SemaphoreType.DMA,
        ],
        compiler_params=pltpu.CompilerParams(needs_layout_passes=False),
    )
    def hist_kernel(inp_hbm, tgt_hbm, out_hbm, inp_v, tgt_v, hist_v,
                    sem_a, sem_b):
        wid = lax.axis_index("s") * _NC + lax.axis_index("c")
        base = wid * chunk
        cp_a = pltpu.async_copy(inp_hbm.at[pl.ds(base, chunk)], inp_v, sem_a)
        cp_b = pltpu.async_copy(tgt_hbm.at[pl.ds(base, chunk)], tgt_v, sem_b)

        zeros_i = jnp.zeros((_LANES,), jnp.int32)
        ones_i = jnp.ones((_LANES,), jnp.int32)
        pk_eq = jnp.full((_LANES,), 65537, jnp.int32)
        pk_ne = jnp.full((_LANES,), 65536, jnp.int32)
        lane = lax.iota(jnp.int32, _LANES)
        lane_b = lane + _REGW

        with jax.named_scope("zero_and_stage"):
            @plsc.parallel_loop(0, _HISTW // _LANES, 1, unroll=8)
            def _zero(i):
                hist_v[pl.ds(i * _LANES, _LANES)] = zeros_i

            cp_a.wait()
            cp_b.wait()

        with jax.named_scope("histo_loop"):
            @plsc.parallel_loop(0, iters, 1, unroll=_UNROLL)
            def _loop(j):
                av = inp_v[pl.ds(j * _LANES, _LANES)]
                bv = tgt_v[pl.ds(j * _LANES, _LANES)]
                ia = (av + 0.5).astype(jnp.int32)
                fa = ia * _LANES + lane
                fb = bv * _LANES + lane_b
                vala = jnp.where(ia == bv, pk_eq, pk_ne)
                plsc.addupdate_scatter(hist_v, [fa], vala)
                plsc.addupdate_scatter(hist_v, [fb], ones_i)

        with jax.named_scope("writeback"):
            pltpu.sync_copy(hist_v, out_hbm.at[wid])

    return hist_kernel(inp_flat, tgt_flat)


def _finish_body(h_ref, o_ref):
    h = h_ref[:]
    pa = h[:, :_REGW]
    hb = h[:, _REGW:].astype(jnp.float32)
    ha = jnp.right_shift(pa, 16).astype(jnp.float32)
    hj = jnp.bitwise_and(pa, 65535).astype(jnp.float32)
    row = lax.broadcasted_iota(jnp.int32, (_REGW, _CPAD), 0) // _LANES
    col = lax.broadcasted_iota(jnp.int32, (_REGW, _CPAD), 1)
    sel = (row == col).astype(jnp.float32)
    sa = jnp.sum(ha, axis=0, keepdims=True)
    sb = jnp.sum(hb, axis=0, keepdims=True)
    sj = jnp.sum(hj, axis=0, keepdims=True)
    s3 = jnp.concatenate([sa, sb, sj], axis=0)
    r3 = jnp.dot(s3, sel, preferred_element_type=jnp.float32)
    den = r3[0:1] + r3[1:2]
    dice = 2.0 * r3[2:3] / jnp.maximum(den, _EPS)
    ch = lax.broadcasted_iota(jnp.int32, (1, _CPAD), 1)
    valid = jnp.logical_and(ch >= 1, ch <= _C - 1)
    loss = jnp.where(valid, 1.0 - dice, 0.0)
    o_ref[...] = jnp.sum(loss, axis=(0, 1), keepdims=True) / (_C - 1)


def kernel(input, target):
    inp_flat = input.reshape(-1)
    tgt_flat = target.reshape(-1)
    hists = _sc_histograms(inp_flat, tgt_flat)
    out = pl.pallas_call(
        _finish_body,
        out_shape=jax.ShapeDtypeStruct((1, 1), jnp.float32),
    )(hists)
    return out[0, 0]

# --- scband reference (transcript-rebuilt; emitter-appended) ---
"""Pipeline reference for scband-dice-loss-77824807403926 (READ-ONLY COPY).

The authoritative reference and input builder live on the scoring server;
editing this copy changes nothing except your own understanding.
"""

import jax, jax.numpy as jnp
import numpy as np

C = 55
EPS = 1e-05


def _one_hot(labels):
    # labels: [N, 1, D, H, W] (values are class ids) -> [N, C, D, H, W]
    lab = labels[:, 0]  # [N, D, H, W]
    classes = jnp.arange(C).reshape(1, C, 1, 1, 1)
    return (lab[:, None, :, :, :] == classes).astype(jnp.float32)


def _flatten(t):
    # (N, C, D, H, W) -> (C, N*D*H*W)
    t = jnp.transpose(t, (1, 0, 2, 3, 4))
    return t.reshape(C, -1)


def setup_inputs(seed: int = 0) -> dict:
    key = jax.random.key(seed)
    k1, k2 = jax.random.split(key)
    shape = (1, 1, 64, 128, 128)
    inp = jax.random.randint(k1, shape, 0, 55).astype(jnp.float32)
    tgt = jax.random.randint(k2, shape, 0, 55).astype(jnp.int32)
    return {"input": inp, "target": tgt}


def reference(input, target):
    # expand_as_one_hot via scatter along channel dim (equivalent one-hot)
    i_oh = _one_hot(jnp.round(input))
    t_oh = _one_hot(target)
    i_flat = _flatten(i_oh)
    t_flat = _flatten(t_oh).astype(jnp.float32)
    intersect = (i_flat * t_flat).sum(-1)
    denominator = (i_flat + t_flat).sum(-1)
    per_channel_dice = 2.0 * intersect / jnp.maximum(denominator, EPS)
    return jnp.mean(1.0 - per_channel_dice[1:])

if __name__ == "__main__":
    import jax
    _d = setup_inputs()
    print(jax.jit(kernel)(*tuple(_d.values())))

</pallas_src>

<mosaic_0001>
#map = affine_map<(d0, d1) -> (0)>
#map1 = affine_map<(d0, d1) -> (0, 0)>
module attributes {stable_mosaic.version = 14 : i64} {
  func.func @hist_kernel(%arg0: i32, %arg1: i32, %arg2: memref<1048576xf32, #tpu.memory_space<hbm>>, %arg3: memref<1048576xi32, #tpu.memory_space<hbm>>, %arg4: memref<32x2048xi32, #tpu.memory_space<hbm>>, %arg5: memref<32768xf32, #tpu.memory_space<vmem>>, %arg6: memref<32768xi32, #tpu.memory_space<vmem>>, %arg7: memref<2048xi32, #tpu.memory_space<vmem>>, %arg8: memref<!tpu.dma_semaphore, #tpu.memory_space<semaphore_mem>>, %arg9: memref<!tpu.dma_semaphore, #tpu.memory_space<semaphore_mem>>) attributes {dimension_semantics = [#tpu.dimension_semantics<core_parallel>, #tpu.dimension_semantics<subcore_parallel>], iteration_bounds = array<i64: 2, 16>, scalar_prefetch = 0 : i64, scratch_operands = 5 : i64, tpu.core_type = #tpu.core_type<sc_vector_subcore>, window_params = [{transform_indices = #map}, {transform_indices = #map}, {transform_indices = #map1}]} {
    %mul3A = arith.constant 2 : i32
    %mul3A_0 = arith.muli %arg1, %mul3A : i32
    %add3A = arith.addi %mul3A_0, %arg0 : i32
    %mul3A_1 = arith.constant 32768 : i32
    %mul3A_2 = arith.muli %add3A, %mul3A_1 : i32
    %dma_start3A = tpu.memref_slice %arg2[%mul3A_2] : memref<1048576xf32, #tpu.memory_space<hbm>> -> memref<32768xf32, #tpu.memory_space<hbm>>
    %dma_start3A_3 = tpu.memref_slice %arg2[%mul3A_2] : memref<1048576xf32, #tpu.memory_space<hbm>> -> memref<32768xf32, #tpu.memory_space<hbm>>
    tpu.enqueue_dma source(%dma_start3A_3 : memref<32768xf32, #tpu.memory_space<hbm>>) target(%arg5 : memref<32768xf32, #tpu.memory_space<vmem>>) target_semaphore(%arg8 : memref<!tpu.dma_semaphore, #tpu.memory_space<semaphore_mem>>)
    %dma_start3A_4 = tpu.memref_slice %arg3[%mul3A_2] : memref<1048576xi32, #tpu.memory_space<hbm>> -> memref<32768xi32, #tpu.memory_space<hbm>>
    %dma_start3A_5 = tpu.memref_slice %arg3[%mul3A_2] : memref<1048576xi32, #tpu.memory_space<hbm>> -> memref<32768xi32, #tpu.memory_space<hbm>>
    tpu.enqueue_dma source(%dma_start3A_5 : memref<32768xi32, #tpu.memory_space<hbm>>) target(%arg6 : memref<32768xi32, #tpu.memory_space<vmem>>) target_semaphore(%arg9 : memref<!tpu.dma_semaphore, #tpu.memory_space<semaphore_mem>>)
    %broadcast_in_dim3A = arith.constant 0 : i32
    %broadcast_in_dim3A_6 = vector.broadcast %broadcast_in_dim3A : i32 to vector<16xi32>
    %broadcast_in_dim3A_7 = arith.constant 1 : i32
    %broadcast_in_dim3A_8 = vector.broadcast %broadcast_in_dim3A_7 : i32 to vector<16xi32>
    %broadcast_in_dim3A_9 = arith.constant 65537 : i32
    %broadcast_in_dim3A_10 = vector.broadcast %broadcast_in_dim3A_9 : i32 to vector<16xi32>
    %broadcast_in_dim3A_11 = arith.constant 65536 : i32
    %broadcast_in_dim3A_12 = vector.broadcast %broadcast_in_dim3A_11 : i32 to vector<16xi32>
    %iota3A = tpu.iota {dimensions = array<i32: 0>} : vector<16xi32>
    %add3A_13 = arith.constant 1024 : i32
    %add3A_14 = vector.broadcast %add3A_13 : i32 to vector<16xi32>
    %add3A_15 = arith.addi %iota3A, %add3A_14 : vector<16xi32>
    %parallel_loop3A = arith.constant 0 : i32
    %parallel_loop3A_16 = arith.constant 128 : i32
    %parallel_loop3A_17 = arith.constant 1 : i32
    "tpu.trace_start"() <{level = 10 : i32, message = "zero_and_stage"}> : () -> ()
    scf.for %parallel_loop3A_24 = %parallel_loop3A to %parallel_loop3A_16 step %parallel_loop3A_17  : i32 {
      %parallel_loop3A_25 = arith.constant 16 : i32
      %parallel_loop3A_26 = arith.muli %parallel_loop3A_24, %parallel_loop3A_25 : i32
      %parallel_loop3A_27 = arith.index_cast %parallel_loop3A_26 : i32 to index
      %parallel_loop3A_28 = tpu.vector_load %arg7[%parallel_loop3A_27] {strides = array<i32>} : memref<2048xi32, #tpu.memory_space<vmem>>, vector<16xi32>,
      tpu.vector_store %arg7[%parallel_loop3A_27], %broadcast_in_dim3A_6 {strides = array<i32>} : memref<2048xi32, #tpu.memory_space<vmem>>, vector<16xi32>,
    } {sc.loop_unroll_factor = 8 : i64, sc.parallel_access}
    %dma_wait3A = tpu.memref_slice %arg2[%mul3A_2] : memref<1048576xf32, #tpu.memory_space<hbm>> -> memref<32768xf32, #tpu.memory_space<hbm>>
    %dma_wait3A_18 = tpu.memref_slice %arg2[%mul3A_2] : memref<1048576xf32, #tpu.memory_space<hbm>> -> memref<32768xf32, #tpu.memory_space<hbm>>
    tpu.wait_dma2 semaphore(%arg8 : memref<!tpu.dma_semaphore, #tpu.memory_space<semaphore_mem>>) src(%dma_wait3A_18 : memref<32768xf32, #tpu.memory_space<hbm>>) dst(%arg5 : memref<32768xf32, #tpu.memory_space<vmem>>)
    %dma_wait3A_19 = tpu.memref_slice %arg3[%mul3A_2] : memref<1048576xi32, #tpu.memory_space<hbm>> -> memref<32768xi32, #tpu.memory_space<hbm>>
    %dma_wait3A_20 = tpu.memref_slice %arg3[%mul3A_2] : memref<1048576xi32, #tpu.memory_space<hbm>> -> memref<32768xi32, #tpu.memory_space<hbm>>
    tpu.wait_dma2 semaphore(%arg9 : memref<!tpu.dma_semaphore, #tpu.memory_space<semaphore_mem>>) src(%dma_wait3A_20 : memref<32768xi32, #tpu.memory_space<hbm>>) dst(%arg6 : memref<32768xi32, #tpu.memory_space<vmem>>)
    %parallel_loop3A_21 = arith.constant 0 : i32
    %parallel_loop3A_22 = arith.constant 2048 : i32
    %parallel_loop3A_23 = arith.constant 1 : i32
    "tpu.trace_stop"() : () -> ()
    "tpu.trace_start"() <{level = 10 : i32, message = "histo_loop"}> : () -> ()
    scf.for %parallel_loop3A_24 = %parallel_loop3A_21 to %parallel_loop3A_22 step %parallel_loop3A_23  : i32 {
      %parallel_loop3A_25 = arith.constant 16 : i32
      %parallel_loop3A_26 = arith.muli %parallel_loop3A_24, %parallel_loop3A_25 : i32
      %parallel_loop3A_27 = arith.index_cast %parallel_loop3A_26 : i32 to index
      %parallel_loop3A_28 = tpu.vector_load %arg5[%parallel_loop3A_27] {strides = array<i32>} : memref<32768xf32, #tpu.memory_space<vmem>>, vector<16xf32>,
      %parallel_loop3A_29 = arith.constant 16 : i32
      %parallel_loop3A_30 = arith.muli %parallel_loop3A_24, %parallel_loop3A_29 : i32
      %parallel_loop3A_31 = arith.index_cast %parallel_loop3A_30 : i32 to index
      %parallel_loop3A_32 = tpu.vector_load %arg6[%parallel_loop3A_31] {strides = array<i32>} : memref<32768xi32, #tpu.memory_space<vmem>>, vector<16xi32>,
      %parallel_loop3A_33 = arith.constant 5.000000e-01 : f32
      %parallel_loop3A_34 = vector.broadcast %parallel_loop3A_33 : f32 to vector<16xf32>
      %parallel_loop3A_35 = arith.addf %parallel_loop3A_28, %parallel_loop3A_34 : vector<16xf32>
      %parallel_loop3A_36 = arith.fptosi %parallel_loop3A_35 : vector<16xf32> to vector<16xi32>
      %parallel_loop3A_37 = arith.constant 16 : i32
      %parallel_loop3A_38 = vector.broadcast %parallel_loop3A_37 : i32 to vector<16xi32>
      %parallel_loop3A_39 = arith.muli %parallel_loop3A_36, %parallel_loop3A_38 : vector<16xi32>
      %parallel_loop3A_40 = arith.addi %parallel_loop3A_39, %iota3A : vector<16xi32>
      %parallel_loop3A_41 = arith.constant 16 : i32
      %parallel_loop3A_42 = vector.broadcast %parallel_loop3A_41 : i32 to vector<16xi32>
      %parallel_loop3A_43 = arith.muli %parallel_loop3A_32, %parallel_loop3A_42 : vector<16xi32>
      %parallel_loop3A_44 = arith.addi %parallel_loop3A_43, %add3A_15 : vector<16xi32>
      %parallel_loop3A_45 = arith.cmpi eq, %parallel_loop3A_36, %parallel_loop3A_32 : vector<16xi32>
      %parallel_loop3A_46 = arith.select %parallel_loop3A_45, %broadcast_in_dim3A_10, %broadcast_in_dim3A_12 : vector<16xi1>, vector<16xi32>
      tpu.vector_store_idx %arg7[%parallel_loop3A_40], %parallel_loop3A_46 {add = true} : memref<2048xi32, #tpu.memory_space<vmem>>[vector<16xi32>], vector<16xi32>,
      tpu.vector_store_idx %arg7[%parallel_loop3A_44], %broadcast_in_dim3A_8 {add = true} : memref<2048xi32, #tpu.memory_space<vmem>>[vector<16xi32>], vector<16xi32>,
    } {sc.loop_unroll_factor = 8 : i64, sc.parallel_access}
    "tpu.trace_stop"() : () -> ()
    "tpu.trace_start"() <{level = 10 : i32, message = "writeback"}> : () -> ()
    "tpu.region"() ({
      %run_scoped3A = tpu.sem_alloc : memref<!tpu.dma_semaphore, #tpu.memory_space<semaphore_mem>>
      %dma_start3A_24 = arith.constant 0 : i32
      %dma_start3A_25 = tpu.memref_slice %arg4[%add3A, %dma_start3A_24] : memref<32x2048xi32, #tpu.memory_space<hbm>> -> memref<1x2048xi32, #tpu.memory_space<hbm>>
      %dma_start3A_26 = tpu.memref_squeeze %dma_start3A_25 : memref<1x2048xi32, #tpu.memory_space<hbm>> -> memref<2048xi32, #tpu.memory_space<hbm>>
      %dma_start3A_27 = arith.constant 0 : i32
      %dma_start3A_28 = tpu.memref_slice %arg4[%add3A, %dma_start3A_27] : memref<32x2048xi32, #tpu.memory_space<hbm>> -> memref<1x2048xi32, #tpu.memory_space<hbm>>
      %dma_start3A_29 = tpu.memref_squeeze %dma_start3A_28 : memref<1x2048xi32, #tpu.memory_space<hbm>> -> memref<2048xi32, #tpu.memory_space<hbm>>
      tpu.enqueue_dma source(%arg7 : memref<2048xi32, #tpu.memory_space<vmem>>) target(%dma_start3A_29 : memref<2048xi32, #tpu.memory_space<hbm>>) target_semaphore(%run_scoped3A : memref<!tpu.dma_semaphore, #tpu.memory_space<semaphore_mem>>)
      %dma_wait3A_30 = arith.constant 0 : i32
      %dma_wait3A_31 = tpu.memref_slice %arg4[%add3A, %dma_wait3A_30] : memref<32x2048xi32, #tpu.memory_space<hbm>> -> memref<1x2048xi32, #tpu.memory_space<hbm>>
      %dma_wait3A_32 = tpu.memref_squeeze %dma_wait3A_31 : memref<1x2048xi32, #tpu.memory_space<hbm>> -> memref<2048xi32, #tpu.memory_space<hbm>>
      %dma_wait3A_33 = arith.constant 0 : i32
      %dma_wait3A_34 = tpu.memref_slice %arg4[%add3A, %dma_wait3A_33] : memref<32x2048xi32, #tpu.memory_space<hbm>> -> memref<1x2048xi32, #tpu.memory_space<hbm>>
      %dma_wait3A_35 = tpu.memref_squeeze %dma_wait3A_34 : memref<1x2048xi32, #tpu.memory_space<hbm>> -> memref<2048xi32, #tpu.memory_space<hbm>>
      tpu.wait_dma2 semaphore(%run_scoped3A : memref<!tpu.dma_semaphore, #tpu.memory_space<semaphore_mem>>) src(%arg7 : memref<2048xi32, #tpu.memory_space<vmem>>) dst(%dma_wait3A_35 : memref<2048xi32, #tpu.memory_space<hbm>>)
      tpu.yield
    }) : () -> ()
    "tpu.trace_stop"() : () -> ()
    return
  }
}

module attributes {stable_mosaic.version = 14 : i64} {
  func.func @_finish_body(%arg0: memref<32x2048xi32, #tpu.memory_space<vmem>>, %arg1: memref<1x1xf32, #tpu.memory_space<vmem>>) attributes {dimension_semantics = [], scalar_prefetch = 0 : i64, scratch_operands = 0 : i64, tpu.core_type = #tpu.core_type<tc>} {
    %get3A = arith.constant 0 : index
    %get3A_0 = arith.constant 0 : index
    %get3A_1 = vector.load %arg0[%get3A, %get3A_0] : memref<32x2048xi32, #tpu.memory_space<vmem>>, vector<32x2048xi32>
    %slice3A = vector.extract_strided_slice %get3A_1 {offsets = [0, 0], sizes = [32, 1024], strides = [1, 1]} : vector<32x2048xi32> to vector<32x1024xi32>
    %slice3A_2 = vector.extract_strided_slice %get3A_1 {offsets = [0, 1024], sizes = [32, 1024], strides = [1, 1]} : vector<32x2048xi32> to vector<32x1024xi32>
    %convert_element_type3A = arith.sitofp %slice3A_2 : vector<32x1024xi32> to vector<32x1024xf32>
    %shift_right_arithmetic3A = arith.constant 16 : i32
    %shift_right_arithmetic3A_3 = vector.broadcast %shift_right_arithmetic3A : i32 to vector<32x1024xi32>
    %shift_right_arithmetic3A_4 = arith.shrsi %slice3A, %shift_right_arithmetic3A_3 : vector<32x1024xi32>
    %convert_element_type3A_5 = arith.sitofp %shift_right_arithmetic3A_4 : vector<32x1024xi32> to vector<32x1024xf32>
    %and3A = arith.constant 65535 : i32
    %and3A_6 = vector.broadcast %and3A : i32 to vector<32x1024xi32>
    %and3A_7 = arith.andi %slice3A, %and3A_6 : vector<32x1024xi32>
    %convert_element_type3A_8 = arith.sitofp %and3A_7 : vector<32x1024xi32> to vector<32x1024xf32>
    %iota3A = tpu.iota {dimensions = array<i32: 0>} : vector<1024x64xi32>
    %jit3A = arith.constant 16 : i32
    %div3A = vector.broadcast %jit3A : i32 to vector<1024x64xi32>
    %div3A_9 = arith.divsi %iota3A, %div3A : vector<1024x64xi32>
    %sign3A = arith.constant 0 : i32
    %sign3A_10 = vector.broadcast %sign3A : i32 to vector<1024x64xi32>
    %sign3A_11 = arith.cmpi sgt, %iota3A, %sign3A_10 : vector<1024x64xi32>
    %sign3A_12 = arith.extui %sign3A_11 : vector<1024x64xi1> to vector<1024x64xi32>
    %sign3A_13 = arith.constant 0 : i32
    %sign3A_14 = vector.broadcast %sign3A_13 : i32 to vector<1024x64xi32>
    %sign3A_15 = arith.cmpi slt, %iota3A, %sign3A_14 : vector<1024x64xi32>
    %sign3A_16 = arith.extui %sign3A_15 : vector<1024x64xi1> to vector<1024x64xi32>
    %sign3A_17 = arith.subi %sign3A_12, %sign3A_16 : vector<1024x64xi32>
    %sign3A_18 = arith.constant 0 : i32
    %sign3A_19 = arith.cmpi sgt, %jit3A, %sign3A_18 : i32
    %sign3A_20 = arith.extui %sign3A_19 : i1 to i32
    %sign3A_21 = arith.constant 0 : i32
    %sign3A_22 = arith.cmpi slt, %jit3A, %sign3A_21 : i32
    %sign3A_23 = arith.extui %sign3A_22 : i1 to i32
    %sign3A_24 = arith.subi %sign3A_20, %sign3A_23 : i32
    %ne3A = vector.broadcast %sign3A_24 : i32 to vector<1024x64xi32>
    %ne3A_25 = arith.cmpi ne, %sign3A_17, %ne3A : vector<1024x64xi32>
    %rem3A = vector.broadcast %jit3A : i32 to vector<1024x64xi32>
    %rem3A_26 = arith.remsi %iota3A, %rem3A : vector<1024x64xi32>
    %ne3A_27 = arith.constant 0 : i32
    %ne3A_28 = vector.broadcast %ne3A_27 : i32 to vector<1024x64xi32>
    %ne3A_29 = arith.cmpi ne, %rem3A_26, %ne3A_28 : vector<1024x64xi32>
    %and3A_30 = arith.andi %ne3A_25, %ne3A_29 : vector<1024x64xi1>
    %sub3A = arith.constant 1 : i32
    %sub3A_31 = vector.broadcast %sub3A : i32 to vector<1024x64xi32>
    %sub3A_32 = arith.subi %div3A_9, %sub3A_31 : vector<1024x64xi32>
    %select_n3A = arith.select %and3A_30, %sub3A_32, %div3A_9 : vector<1024x64xi1>, vector<1024x64xi32>
    %iota3A_33 = tpu.iota {dimensions = array<i32: 1>} : vector<1024x64xi32>
    %eq3A = arith.cmpi eq, %select_n3A, %iota3A_33 : vector<1024x64xi32>
    %convert_element_type3A_34 = arith.extui %eq3A : vector<1024x64xi1> to vector<1024x64xi32>
    %convert_element_type3A_35 = arith.sitofp %convert_element_type3A_34 : vector<1024x64xi32> to vector<1024x64xf32>
    %reduce_sum3A = arith.constant dense<0.000000e+00> : vector<1024xf32>
    %reduce_sum3A_36 = vector.multi_reduction <add>, %convert_element_type3A_5, %reduce_sum3A [0] : vector<32x1024xf32> to vector<1024xf32>
    %broadcast_in_dim3A = vector.shape_cast %reduce_sum3A_36 : vector<1024xf32> to vector<1x1024xf32>
    %reduce_sum3A_37 = arith.constant dense<0.000000e+00> : vector<1024xf32>
    %reduce_sum3A_38 = vector.multi_reduction <add>, %convert_element_type3A, %reduce_sum3A_37 [0] : vector<32x1024xf32> to vector<1024xf32>
    %broadcast_in_dim3A_39 = vector.shape_cast %reduce_sum3A_38 : vector<1024xf32> to vector<1x1024xf32>
    %reduce_sum3A_40 = arith.constant dense<0.000000e+00> : vector<1024xf32>
    %reduce_sum3A_41 = vector.multi_reduction <add>, %convert_element_type3A_8, %reduce_sum3A_40 [0] : vector<32x1024xf32> to vector<1024xf32>
    %broadcast_in_dim3A_42 = vector.shape_cast %reduce_sum3A_41 : vector<1024xf32> to vector<1x1024xf32>
    %concatenate3A = tpu.concatenate %broadcast_in_dim3A, %broadcast_in_dim3A_39, %broadcast_in_dim3A_42 in 0 : vector<1x1024xf32>, vector<1x1024xf32>, vector<1x1024xf32> -> vector<3x1024xf32>
    %dot_general3A = arith.constant dense<0.000000e+00> : vector<3x64xf32>
    %dot_general3A_43 = tpu.matmul %concatenate3A, %convert_element_type3A_35, %dot_general3A {dimension_numbers = #tpu.dot_dimension_numbers<[1], [0], [0], [1], [0, 0, 1, 1], [], []>, transpose_lhs_hint = false} : vector<3x1024xf32>, vector<1024x64xf32>, vector<3x64xf32> -> vector<3x64xf32>
    %slice3A_44 = vector.extract_strided_slice %dot_general3A_43 {offsets = [0, 0], sizes = [1, 64], strides = [1, 1]} : vector<3x64xf32> to vector<1x64xf32>
    %slice3A_45 = vector.extract_strided_slice %dot_general3A_43 {offsets = [1, 0], sizes = [1, 64], strides = [1, 1]} : vector<3x64xf32> to vector<1x64xf32>
    %add3A = arith.addf %slice3A_44, %slice3A_45 : vector<1x64xf32>
    %slice3A_46 = vector.extract_strided_slice %dot_general3A_43 {offsets = [2, 0], sizes = [1, 64], strides = [1, 1]} : vector<3x64xf32> to vector<1x64xf32>
    %mul3A = arith.constant 2.000000e+00 : f32
    %mul3A_47 = vector.broadcast %mul3A : f32 to vector<1x64xf32>
    %mul3A_48 = arith.mulf %mul3A_47, %slice3A_46 : vector<1x64xf32>
    %max3A = arith.constant 9.99999974E-6 : f32
    %max3A_49 = vector.broadcast %max3A : f32 to vector<1x64xf32>
    %max3A_50 = arith.maximumf %add3A, %max3A_49 : vector<1x64xf32>
    %div3A_51 = arith.divf %mul3A_48, %max3A_50 : vector<1x64xf32>
    %iota3A_52 = tpu.iota {dimensions = array<i32: 1>} : vector<1x64xi32>
    %ge3A = arith.constant 1 : i32
    %ge3A_53 = vector.broadcast %ge3A : i32 to vector<1x64xi32>
    %ge3A_54 = arith.cmpi sge, %iota3A_52, %ge3A_53 : vector<1x64xi32>
    %le3A = arith.constant 54 : i32
    %le3A_55 = vector.broadcast %le3A : i32 to vector<1x64xi32>
    %le3A_56 = arith.cmpi sle, %iota3A_52, %le3A_55 : vector<1x64xi32>
    %and3A_57 = arith.andi %ge3A_54, %le3A_56 : vector<1x64xi1>
    %sub3A_58 = arith.constant 1.000000e+00 : f32
    %sub3A_59 = vector.broadcast %sub3A_58 : f32 to vector<1x64xf32>
    %sub3A_60 = arith.subf %sub3A_59, %div3A_51 : vector<1x64xf32>
    %jit3A_61 = arith.constant 0.000000e+00 : f32
    %broadcast_in_dim3A_62 = vector.broadcast %jit3A_61 : f32 to vector<1x64xf32>
    %select_n3A_63 = arith.select %and3A_57, %sub3A_60, %broadcast_in_dim3A_62 : vector<1x64xi1>, vector<1x64xf32>
    %reduce_sum3A_64 = vector.shape_cast %select_n3A_63 : vector<1x64xf32> to vector<1x1x64xf32>
    %reduce_sum3A_65 = arith.constant dense<0.000000e+00> : vector<1xf32>
    %reduce_sum3A_66 = vector.multi_reduction <add>, %reduce_sum3A_64, %reduce_sum3A_65 [1, 2] : vector<1x1x64xf32> to vector<1xf32>
    %reduce_sum3A_67 = vector.shape_cast %reduce_sum3A_66 : vector<1xf32> to vector<1x1x1xf32>
    %reduce_sum3A_68 = vector.extract %reduce_sum3A_67[0, 0, 0] : f32 from vector<1x1x1xf32>
    %broadcast_in_dim3A_69 = vector.broadcast %reduce_sum3A_68 : f32 to vector<1x1xf32>
    %div3A_70 = arith.constant 5.400000e+01 : f32
    %div3A_71 = vector.broadcast %div3A_70 : f32 to vector<1x1xf32>
    %div3A_72 = arith.divf %broadcast_in_dim3A_69, %div3A_71 : vector<1x1xf32>
    %swap3A = arith.constant 0 : index
    %swap3A_73 = arith.constant 0 : index
    %swap3A_74 = vector.load %arg1[%swap3A, %swap3A_73] : memref<1x1xf32, #tpu.memory_space<vmem>>, vector<1x1xf32>
    tpu.vector_store %arg1[%swap3A, %swap3A_73], %div3A_72 {strides = array<i32>} : memref<1x1xf32, #tpu.memory_space<vmem>>, vector<1x1xf32>,
    return
  }
}

</mosaic_0001>

<sc_bundles>
// kernel: kernel.4.cloned.1.call-start
scs
__scs_entry_jumppad:
0x0: {  	(pc) =	sbr.rel $0x88, $3  }
0x1: {  	(tag) =	ssettag $0x0;
	lr =	simm.s32 $0x1  }
0x2: {  	[smem:$0x3F9F] =	sst lr;
	_ =	strace $0xD0000000  }
0x3: {  	_ = 	snop  }
0x4: {  	_ = 	snop  }
0x5: {  	_ = 	snop  }
0x6: {  	_ = 	snop  }
0x7: {  	_ = 	snop  }
__scs_overlays_trampoline_lowered:
0x8: {  	[smem:$0x3FAE] =	sst s0  }
0x9: {  	[smem:$0x3FAF] =	sst s1  }
0xa: {  	[smem:$0x3FB0] =	sst s2  }
0xb: {  	[smem:$0x3FB1] =	sst s3  }
0xc: {  	[smem:$0x3FB2] =	sst s4  }
0xd: {  	[smem:$0x3FB3] =	sst s5  }
0xe: {  	[smem:$0x3FB4] =	sst s6  }
0xf: {  	[smem:$0x3FB5] =	sst s7  }
0x10: {  	[smem:$0x3FB6] =	sst s8  }
0x11: {  	[smem:$0x3FB7] =	sst s9;
	s0 =	simm.s32 @!p0 $0x0  }
0x12: {  	s1 =	sld [smem:$0x3F9D];
	s0 =	simm.s32 @p0 $0x1  }
0x13: {  	[smem:$0x3FB8] =	sst s0;
	s0 =	simm.s32 @!p1 $0x0  }
0x14: {  	s2 =	sld [smem:$0x3F9C];
	s0 =	simm.s32 @p1 $0x1  }
0x15: {  	[smem:$0x3FB9] =	sst s0;
	s0 =	simm.s32 @!p2 $0x0  }
0x16: {  	s3 =	sld [smem:$0x3FDB];
	s0 =	simm.s32 @p2 $0x1  }
0x17: {  	s4 =	simm.s32 $0x1BF5;
	[smem:$0x3FBB] =	sst s0  }
0x18: {  	s0 =	sld [smem:$0x3F9E];
	_ =	swait.ge [sflag:s4], $0x0  }
0x19: {  	s7 =	sld [smem:$0x3F9F]  }
0x1a: {  	s8 =	sadd.s32 $0xFFFFE003, lr  }
0x1b: {  	s9 =	sadd.s32 $0xFFFFFEF7, lr;
	s5 =	simm.s32 $0xFFFFFFFF;
	p2 =	slt.u32 s8, $0xFFFFF086  }
0x1c: {  	p1 =	slt.u32 s9, $0xF7A;
	s5 =	simm.s32 @!p2 $0x0  }
0x1d: {  	s5 =	simm.s32 @p1 $0x1;
	p0 =	seq.s32 s7, s2  }
0x1e: {  	s7 =	smul.u32 @!p0 $0xF7A, s2;
	p2 =	seq.s32 @!p0 s5, $0x0  }
0x1f: {  	s9 =	smul.u32 $0xF7A, s1;
	s8 =	simm.s32 @!p0 $0x1BF5;
	p2 =	por !p2, p0  }
0x20: {  	[sflag:s8] =	ssyncset.s32 @!p0 $0xFFFFF086;
	s6 =	sadd.s32 @!p0 s3, s7;
	s7 =	simm.s32 @!p0 $0x108  }
0x21: {  	s3 =	sadd.s32 s3, s9;
	s6 =	sadd.s32 @!p0 $0x88, s6;
	s7 =	simm.s32 @p2 $0x1082  }
0x22: {  	[simem:s7], [sflag:s8] =	dma.local @!p0 [hbm:s6], $0xF7A  }
0x23: {  	s9 =	sor.u32 $0xD0000000, s2;
	s6 =	simm.s32 $0x108;
	_ =	swait.ge @!p0 [sflag:s8], $0x0  }
0x24: {  	s3 =	sadd.s32 $0x88, s3;
	s6 =	simm.s32 @!p1 $0x1082;
	[sflag:s4] =	ssyncset.s32 $0xFFFFF086  }
0x25: {  	[simem:s6], [sflag:s4] =	dma.local [hbm:s3], $0xF7A  }
0x26: {  	[smem:$0x3F9F] =	sst s1;
	(tag) =	ssettag s2;
	_ =	strace s9  }
0x27: {  	s1 =	sld [smem:$0x3FAF]  }
0x28: {  	s2 =	sld [smem:$0x3FB0]  }
0x29: {  	s4 =	sld [smem:$0x3FB2]  }
0x2a: {  	p0 =	seq.s32 s5, $0x0;
	s5 =	sld [smem:$0x3FB3]  }
0x2b: {  	s6 =	sld [smem:$0x3FB4]  }
0x2c: {  	s7 =	sld [smem:$0x3FB5]  }
0x2d: {  	s3 =	simm.s32 $0x108;
	s8 =	sld [smem:$0x3FB6]  }
0x2e: {  	s3 =	simm.s32 @!p0 $0x1082;
	s9 =	sld [smem:$0x3FB7]  }
0x2f: {  	lr =	sadd.s32 s0, s3;
	s0 =	sld [smem:$0x3FAE]  }
0x30: {  	s3 =	sld [smem:$0x3FB1]  }
0x31: {  	[smem:$0x3FBA] =	sst s10  }
0x32: {  	s10 =	sld [smem:$0x3FB8];
	_ =	sdelay $0x3  }
0x33: {  	p0 =	seq.s32 s10, $0x1;
	s10 =	sld [smem:$0x3FBA];
	_ =	sdelay $0x3  }
0x34: {  	[smem:$0x3FBA] =	sst s10  }
0x35: {  	s10 =	sld [smem:$0x3FB9];
	_ =	sdelay $0x3  }
0x36: {  	p1 =	seq.s32 s10, $0x1;
	s10 =	sld [smem:$0x3FBA];
	_ =	sdelay $0x3  }
0x37: {  	[smem:$0x3FBA] =	sst s10  }
0x38: {  	s10 =	sld [smem:$0x3FBB]  }
0x39: {  	_ = 	snop;
	(pc) =	sbr.ind lr, $3  }
0x3a: {  	_ = 	snop  }
0x3b: {  	_ = 	snop  }
0x3c: {  	p2 =	seq.s32 s10, $0x1;
	s10 =	sld [smem:$0x3FBA]  }
0x3d: {  	_ =	shalt  }
0x3e: {  	_ =	shalt  }
0x3f: {  	_ =	shalt  }
0x40: {  	_ =	shalt  }
0x41: {  	_ =	shalt  }
0x42: {  	_ =	shalt  }
0x43: {  	_ =	shalt  }
0x44: {  	_ =	shalt  }
0x45: {  	_ =	shalt  }
0x46: {  	_ =	shalt  }
0x47: {  	_ =	shalt  }
0x48: {  	_ =	shalt  }
0x49: {  	_ =	shalt  }
0x4a: {  	_ =	shalt  }
0x4b: {  	_ =	shalt  }
0x4c: {  	_ =	shalt  }
0x4d: {  	_ =	shalt  }
0x4e: {  	_ =	shalt  }
0x4f: {  	_ =	shalt  }
0x50: {  	_ =	shalt  }
0x51: {  	_ =	shalt  }
0x52: {  	_ =	shalt  }
0x53: {  	_ =	shalt  }
0x54: {  	_ =	shalt  }
0x55: {  	_ =	shalt  }
0x56: {  	_ =	shalt  }
0x57: {  	_ =	shalt  }
0x58: {  	_ =	shalt  }
0x59: {  	_ =	shalt  }
0x5a: {  	_ =	shalt  }
0x5b: {  	_ =	shalt  }
0x5c: {  	_ =	shalt  }
0x5d: {  	_ =	shalt  }
0x5e: {  	_ =	shalt  }
0x5f: {  	_ =	shalt  }
0x60: {  	_ =	shalt  }
0x61: {  	_ =	shalt  }
0x62: {  	_ =	shalt  }
0x63: {  	_ =	shalt  }
0x64: {  	_ =	shalt  }
0x65: {  	_ =	shalt  }
0x66: {  	_ =	shalt  }
0x67: {  	_ =	shalt  }
0x68: {  	_ =	shalt  }
0x69: {  	_ =	shalt  }
0x6a: {  	_ =	shalt  }
0x6b: {  	_ =	shalt  }
0x6c: {  	_ =	shalt  }
0x6d: {  	_ =	shalt  }
0x6e: {  	_ =	shalt  }
0x6f: {  	_ =	shalt  }
0x70: {  	_ =	shalt  }
0x71: {  	_ =	shalt  }
0x72: {  	_ =	shalt  }
0x73: {  	_ =	shalt  }
0x74: {  	_ =	shalt  }
0x75: {  	_ =	shalt  }
0x76: {  	_ =	shalt  }
0x77: {  	_ =	shalt  }
0x78: {  	_ =	shalt  }
0x79: {  	_ =	shalt  }
0x7a: {  	_ =	shalt  }
0x7b: {  	_ =	shalt  }
0x7c: {  	_ =	shalt  }
0x7d: {  	_ =	shalt  }
0x7e: {  	_ =	shalt  }
0x7f: {  	_ =	shalt  }
0x80: {  	_ =	shalt  }
0x81: {  	_ =	shalt  }
0x82: {  	_ =	shalt  }
0x83: {  	_ =	shalt  }
0x84: {  	_ =	shalt  }
0x85: {  	_ =	shalt  }
0x86: {  	_ =	shalt  }
0x87: {  	_ =	shalt  }
.Lfunc_end0:
.L_simem_size_0:
called_computation_lowered:
.L_overlay_start_0:
0x88: {  	s2 =	sld [smem:$0x3FD9]  }
0x89: {  	s3 =	sld [smem:$0x3FFE];
	_ =	sdelay $0x1  }
0x8a: {  	s1 =	srdreg.scid  }
0x8b: {  	s0 =	sand.u32 $0x1, s1  }
0x8c: {  	s17 =	sshll.u32 s0, $0xA;
	s2 =	sadd.s32 s3, s2  }
0x8d: {  	s2 =	sadd.s32 s2, s17  }
0x8e: {  	[smem:$0x3FC6] =	sst s2  }
0x8f: {  	_ = 	snop  }
0x90: {  	s2 =	sld [smem:$0x3FC9]  }
0x91: {  	s18 =	sld [smem:$0x3FC8];
	(tm) =	ssettm $0x1  }
0x92: {  	s4 =	sld [smem:$0x3FFB];
	_ =	sdelay $0x3  }
0x93: {  	_ =	strace s4  }
0x94: {  	s4 =	sld [smem:$0x3FFC];
	_ =	sdelay $0x3  }
0x95: {  	_ =	strace s4  }
0x96: {  	s4 =	sld [smem:$0x3FFD];
	_ =	sdelay $0x3  }
0x97: {  	_ =	strace s4  }
0x98: {  	_ =	strace $0x8FFFFFFF  }
0x99: {  	s19 =	sld [smem:$0x3FDB];
	_ =	sdelay $0x1  }
0x9a: {  	s5 =	simm.s32 $_scs_section_size  }
0x9b: {  	s6 =	simm.s32 $_size__tile_overlayer_lowered;
	s7 =	simm.s32 $_tile_overlayer_lowered  }
0x9c: {  	s22 =	simm.s32 $0x1BFF;
	s21 =	sshll.u32 s7, $0x1;
	s4 =	sadd.s32 s5, s19  }
0x9d: {  	s8 =	simm.s32 $0x0;
	s20 =	sshll.u32 s6, $0x1;
	s6 =	sadd.s32 s21, s4  }
0x9e: {  	[timem:s8], [sflag:s22] =	dma.local [hbm:s6], s20  }
0x9f: {  	_ =	swait.ge [sflag:s22], s20  }
0xa0: {  	s5 =	ssub.s32 $0x0, s20;
	[sflag:s22] =	ssyncset.done $0x0  }
0xa1: {  	[sflag:s22] =	ssyncadd.s32 s5;
	_ =	sdelay $0x1  }
0xa2: {  	s23 =	simm.s32 $0x1B8B  }
0xa3: {  	_ =	swait.ge [sflag:s23], $0x1  }
0xa4: {  	[sflag:s23] =	ssyncset.done $0x0  }
0xa5: {  	s25 =	simm.s32 $0x1B8E;
	s24 =	sld [smem:$0x3FFE];
	[sflag:s23] =	ssyncadd.s32 $0xFFFFFFFF  }
0xa6: {  	s26 =	simm.s32 $execute0_lowered;
	[smem:$0x3FD2] =	sst s25  }
0xa7: {  	s6 =	sshll.u32 s26, $0x1;
	_ =	strace $0x80000046;
	[dreg:$0x1] =	wrdreg $0xFFFFFFFF  }
0xa8: {  	s28 =	simm.s32 $_size_execute0_lowered;
	s4 =	sadd.s32 s4, s6;
	[dreg:$0x0] =	wrdreg $0x0  }
0xa9: {  	s6 =	sshll.u32 s28, $0x1;
	[dreg:$0x2] =	wrdreg s4  }
0xaa: {  	[dreg:$0x3] =	wrdreg s6  }
0xab: {  	[dreg:$0x4] =	wrdreg $0xC0  }
0xac: {  	_ =	task [dreg:s8], $0x5FFFF  }
0xad: {  	[dreg:$0x1] =	wrdreg $0xFFFFFFFF  }
0xae: {  	[dreg:$0x0] =	wrdreg $0x60  }
0xaf: {  	[dreg:$0x2] =	wrdreg s2  }
0xb0: {  	[dreg:$0x3] =	wrdreg s18  }
0xb1: {  	[dreg:$0x4] =	wrdreg s24  }
0xb2: {  	[dreg:$0x5] =	wrdreg $0x9  }
0xb3: {  	_ =	task.clear_ibuf [dreg:s8], $0x6FFFF;
	_ =	strace $0x90000046  }
0xb4: {  	s29 =	simm.s32 $0x9;
	_ =	strace $0x8000004B  }
0xb5: {  	_ =	swait.ge [sflag:s29], $0x1  }
0xb6: {  	[sflag:s29] =	ssyncadd.s32 $0xFFFFFFFF  }
0xb7: {  	_ =	strace $0x9000004B  }
0xb8: {  	_ =	sfence  }
0xb9: {  	s30 =	sld [smem:$0x0];
	_ =	sdelay $0x2  }
0xba: {  	s31 =	sshll.u32 s1, $0xD;
	s1 =	sshrl.u32 s1, $0x2  }
0xbb: {  	s3 =	sand.u32 $0x4000, s31;
	s1 =	sadd.s32 s1, s30  }
0xbc: {  	s0 =	sor.u32 s3, s0;
	s1 =	sshll.u32 s1, $0x11  }
0xbd: {  	s0 =	sor.u32 s1, s0  }
0xbe: {  	s0 =	sadd.s32 $0x8F2B, s0  }
0xbf: {  	[sflag:s0] =	ssyncadd.remote.s32 $0x1  }
0xc0: {  	_ =	sfence.sel $0xFFFF  }
0xc1: {  	[dreg:$0x0] =	wrdreg $0xFFFFFFFF;
	(pc) =	sbr.abs _section_cstart, $3  }
0xc2: {  	[dreg:$0x1] =	wrdreg $0xFFFFFFFF  }
0xc3: {  	_ =	task.clear_ibuf [dreg:s8], $0x2FFFF;
	_ =	strace $0x9FFFFFFF  }
0xc4: {  	(tm) =	ssettm $0x7FFFFFFF  }
0xc5: {  	_ =	shalt  }
tec
execute0_lowered:
.L_overlay_start_1:
0x0: {  	(tag) =	ssettag $0x1  }
0x1: {  	s3 =	rddreg [dreg:$0x0]  }
0x2: {  	s4 =	rddreg [dreg:$0x1]  }
0x3: {  	s5 =	rddreg [dreg:$0x2]  }
0x4: {  	s0 =	rddreg [dreg:$0x3]  }
0x5: {  	s2 =	simm.s32 $0x0;
	s1 =	stileid.u32;
	s6 =	srdreg.scid  }
0x6: {  	s10 =	simm.s32 $0x10000;
	s11 =	simm.s32 $0x80;
	s12 =	simm.s32 $0x400  }
0x7: {  	s13 =	simm.s32 $0x3;
	s14 =	simm.s32 $0x0;
	[smem:$0x7FF] =	sst s2  }
0x8: {  	s6 =	sand.u32 $0x1, s6;
	s7 =	sshll.u32 s1, $0x1;
	s8 =	sshll.u32 s1, $0x9  }
0x9: {  	_ =	strace $0x80000047;
	s7 =	sor.u32 s6, s7;
	s8 =	sand.u32 $0x1800, s8  }
0xa: {  	s6 =	ssub.s32 $0x2, s6;
	s9 =	sshll.u32 s7, $0x4;
	s5 =	sadd.s32 s8, s5  }
0xb: {  	s31 =	sshrl.u32 s6, $0x1;
	s7 =	sshll.u32 s7, $0xC;
	s8 =	simm.s32 $0x1  }
0xc: {  	s9 =	sand.u32 $0x70, s9;
	s6 =	ssub.s32 s6, s31;
	s3 =	sadd.s32 s3, s7  }
0xd: {  	v0 =	vimm.s32 $0x0;
	v1 =	vlaneseq.u32;
	s4 =	sadd.s32 s4, s7;
	s7 =	simm.s32 $0x8000;
	s5 =	sadd.s32 s9, s5  }
0xe: {  	v3 =	vimm.s32 $0x10000;
	v4 =	vimm.s32 $0x1;
	v2 =	vor.u32 $0x400, v1;
	s6 =	smax.u32 s6, $0x1;
	s9 =	simm.s32 $0x2;
	s5 =	sadd.s32 $0x600, s5  }
.LBB2_1:
0xf: {  	[tilespmem:s2], [sflag:$0x1] =	stream.linear.gather [hbm4b:s3+s2], $0x8000, $0x38;
	[tilespmem:$0x10800] =	vst v63  }
0x10: {  	s15 =	simm.s32 $0x10040  }
0x11: {  	[tilespmem:s7], [sflag:$0x2] =	stream.linear.gather [hbm4b:s4+s2], $0x8000, $0x38;
	[tilespmem:$0x10800] =	vst v63  }
0x12: {  	_ =	strace $0x80000048;
	[tilespmem:s15+$0xFFFFFFC0] =	vst v0  }
0x13: {  	[tilespmem:s15+$0x30] =	vst v0  }
0x14: {  	[tilespmem:s15+$0x20] =	vst v0  }
0x15: {  	[tilespmem:s15+$0x10] =	vst v0  }
0x16: {  	[tilespmem:s15+$0x0] =	vst v0  }
0x17: {  	[tilespmem:s15+$0xFFFFFFF0] =	vst v0  }
0x18: {  	s16 =	simm.s32 $0x0;
	[tilespmem:s15+$0xFFFFFFE0] =	vst v0  }
.LBB2_2:
0x19: {  	s16 =	sadd.s32 $0x8, s16;
	[tilespmem:s15+$0xFFFFFFD0] =	vst v0;
	s15 =	sadd.s32 $0x80, s15  }
0x1a: {  	[tilespmem:s15+$0xFFFFFFC0] =	vst v0;
	p0 =	slt.u32 s16, $0x78  }
0x1b: {  	[tilespmem:s15+$0x30] =	vst v0  }
.Ltmp0:
0x1c: {  	[tilespmem:s15+$0x20] =	vst v0;
	(pc) =	sbr.rel @p0 .LBB2_2-.Ltmp0, $4  }
0x1d: {  	[tilespmem:s15+$0x10] =	vst v0  }
0x1e: {  	[tilespmem:s15+$0x0] =	vst v0  }
0x1f: {  	[tilespmem:s15+$0xFFFFFFF0] =	vst v0  }
0x20: {  	[tilespmem:s15+$0xFFFFFFE0] =	vst v0  }
0x21: {  	[tilespmem:s15+$0xFFFFFFD0] =	vst v0  }
0x22: {  	_ =	swait.ge [sflag:s8], $0x8000  }
0x23: {  	[sflag:s8] =	ssyncset.done $0x0  }
0x24: {  	[sflag:s8] =	ssyncadd.s32 $0xFFFF8000  }
0x25: {  	_ =	swait.ge [sflag:s9], $0x8000  }
0x26: {  	[sflag:s9] =	ssyncset.done $0x0  }
0x27: {  	[sflag:s9] =	ssyncadd.s32 $0xFFFF8000  }
0x28: {  	_ =	strace $0x90000048  }
0x29: {  	s16 =	simm.s32 $0x40;
	_ =	strace $0x80000049  }
0x2a: {  	v5 =	vld [tilespmem:s16+$0x0]  }
0x2b: {  	v7 =	vld [tilespmem:s16+$0xFFFFFFE0]  }
0x2c: {  	v8 =	vld [tilespmem:s16+$0xFFFFFFD0]  }
0x2d: {  	v9 =	vld [tilespmem:s16+$0xFFFFFFF0]  }
0x2e: {  	v10 =	vld [tilespmem:s16+$0x10]  }
0x2f: {  	v11 =	vld [tilespmem:s16+$0x20];
	_ =	sdelay $0x1  }
0x30: {  	v12 =	vadd.f32 $5.000000000e-01, v5  }
0x31: {  	s15 =	simm.s32 $0x8040;
	v7 =	vadd.f32 $5.000000000e-01, v7;
	v8 =	vadd.f32 $5.000000000e-01, v8  }
0x32: {  	v6 =	vld [tilespmem:s15+$0x10];
	v9 =	vadd.f32 $5.000000000e-01, v9;
	v10 =	vadd.f32 $5.000000000e-01, v10  }
0x33: {  	v11 =	vadd.f32 $5.000000000e-01, v11;
	v13 =	vtrunc.f32 v12;
	v7 =	vtrunc.f32 v7  }
0x34: {  	v5 =	vld [tilespmem:s15+$0xFFFFFFD0];
	v8 =	vtrunc.f32 v8;
	v12 =	vtrunc.f32 v9  }
0x35: {  	v14 =	vld [tilespmem:s15+$0x20];
	v10 =	vtrunc.f32 v10;
	v11 =	vtrunc.f32 v11  }
0x36: {  	v8 =	vcvt.f32.s32 v8;
	v16 =	vcvt.f32.s32 v7  }
0x37: {  	v23 =	vld [tilespmem:s15+$0xFFFFFFF0];
	v9 =	vshll.u32 v6, $0x4;
	v18 =	vcvt.f32.s32 v10;
	v10 =	vcvt.f32.s32 v11  }
0x38: {  	v19 =	vld [tilespmem:s15+$0x0];
	v9 =	vadd.s32 v2, v9;
	v12 =	vcvt.f32.s32 v12;
	v20 =	vcvt.f32.s32 v13  }
0x39: {  	v15 =	vld [tilespmem:s15+$0xFFFFFFE0];
	v7 =	vshll.u32 v8, $0x4;
	vm0 =	veq.s32 v5, v8;
	v11 =	vshll.u32 v10, $0x4  }
0x3a: {  	v24 =	vld [tilespmem:s16+$0x30];
	vm1 =	veq.s32 v14, v10;
	v10 =	vshll.u32 v16, $0x4;
	v14 =	vshll.u32 v14, $0x4  }
0x3b: {  	v22 =	vld [tilespmem:s16+$0xFFFFFFC0];
	v7 =	vor.u32 v1, v7;
	v8 =	vsel vm0, $0x10001, v3;
	v21 =	vor.u32 v1, v11  }
0x3c: {  	v13 =	vld [tilespmem:s15+$0x30];
	v17 =	vor.u32 v1, v10;
	vm0 =	veq.s32 v23, v12;
	v11 =	vadd.s32 v2, v14  }
0x3d: {  	s17 =	simm.s32 $0xC0;
	s16 =	simm.s32 $0x0;
	v10 =	vld [tilespmem:s15+$0xFFFFFFC0];
	v14 =	vshll.u32 v23, $0x4;
	v23 =	vshll.u32 v20, $0x4;
	v25 =	vsel vm1, $0x10001, v3  }
.LBB2_4:
0x3e: {  	v26 =	vld [tilespmem:s17+$0x0];
	s16 =	sadd.s32 $0x8, s16;
	v27 =	vshll.u32 v15, $0x4;
	v28 =	vshll.u32 v19, $0x4;
	vm1 =	veq.s32 v19, v20;
	s15 =	sadd.s32 $0x80, s15  }
0x3f: {  	v20 =	vshll.u32 v5, $0x4;
	vm2 =	veq.s32 v15, v16;
	v5 =	vshll.u32 v18, $0x4;
	v19 =	vld [tilespmem:s17+$0xFFFFFFF0];
	p0 =	slt.u32 s16, $0x7F8  }
0x40: {  	vm3 =	veq.s32 v6, v18;
	v15 =	vor.u32 v1, v5;
	[tilespmem:v21+s10+$0x0] =	vst.idx.add.s32.msk $0xffff, v25;
	v6 =	vadd.f32 $5.000000000e-01, v24  }
0x41: {  	v18 =	vadd.s32 v2, v27;
	v21 =	vld [tilespmem:s15+$0x20];
	v16 =	vadd.f32 $5.000000000e-01, v22;
	v22 =	vsel vm2, $0x10001, v3  }
0x42: {  	v25 =	vshll.u32 v13, $0x4;
	v5 =	vld [tilespmem:s15+$0xFFFFFFD0];
	v24 =	vtrunc.f32 v6  }
0x43: {  	v23 =	vor.u32 v1, v23;
	v6 =	vld [tilespmem:s15+$0x10];
	v16 =	vtrunc.f32 v16;
	v24 =	vcvt.f32.s32 v24  }
0x44: {  	v29 =	vsel vm3, $0x10001, v3;
	v25 =	vadd.s32 v2, v25;
	v27 =	vld [tilespmem:s17+$0xFFFFFFE0];
	v16 =	vcvt.f32.s32 v16  }
0x45: {  	v28 =	vadd.s32 v2, v28;
	[tilespmem:v15+s10+$0x0] =	vst.idx.add.s32.msk $0xffff, v29;
	v15 =	vshll.u32 v24, $0x4;
	vm2 =	veq.s32 v13, v24  }
0x46: {  	v13 =	vshll.u32 v16, $0x4;
	vm3 =	veq.s32 v10, v16;
	[tilespmem:v17+s10+$0x0] =	vst.idx.add.s32.msk $0xffff, v22;
	v15 =	vor.u32 v1, v15  }
0x47: {  	v12 =	vshll.u32 v12, $0x4;
	v14 =	vadd.s32 v2, v14;
	v13 =	vor.u32 v1, v13;
	[tilespmem:v9+s10+$0x0] =	vst.idx.add.s32.msk $0xffff, v4  }
0x48: {  	v12 =	vor.u32 v1, v12;
	v16 =	vsel vm1, $0x10001, v3;
	v9 =	vld [tilespmem:s17+$0xFFFFFFD0]  }
0x49: {  	v17 =	vld [tilespmem:s17+$0x10]  }
0x4a: {  	[tilespmem:v23+s10+$0x0] =	vst.idx.add.s32.msk $0xffff, v16;
	v16 =	vsel vm2, $0x10001, v3  }
0x4b: {  	v20 =	vadd.s32 v2, v20;
	v22 =	vsel vm3, $0x10001, v3;
	[tilespmem:v15+s10+$0x0] =	vst.idx.add.s32.msk $0xffff, v16  }
0x4c: {  	v15 =	vsel vm0, $0x10001, v3;
	[tilespmem:v25+s10+$0x0] =	vst.idx.add.s32.msk $0xffff, v4  }
0x4d: {  	[tilespmem:v11+s10+$0x0] =	vst.idx.add.s32.msk $0xffff, v4  }
0x4e: {  	v10 =	vshll.u32 v10, $0x4;
	[tilespmem:v12+s10+$0x0] =	vst.idx.add.s32.msk $0xffff, v15  }
0x4f: {  	v10 =	vadd.s32 v2, v10;
	v11 =	vadd.f32 $5.000000000e-01, v26;
	v12 =	vld [tilespmem:s17+$0x20]  }
0x50: {  	[tilespmem:v28+s10+$0x0] =	vst.idx.add.s32.msk $0xffff, v4  }
0x51: {  	v15 =	vadd.f32 $5.000000000e-01, v27;
	v11 =	vtrunc.f32 v11;
	[tilespmem:v7+s10+$0x0] =	vst.idx.add.s32.msk $0xffff, v8  }
0x52: {  	v7 =	vadd.f32 $5.000000000e-01, v9;
	v8 =	vadd.f32 $5.000000000e-01, v19;
	[tilespmem:v13+s10+$0x0] =	vst.idx.add.s32.msk $0xffff, v22  }
0x53: {  	v9 =	vtrunc.f32 v15;
	v13 =	vadd.f32 $5.000000000e-01, v17;
	[tilespmem:v14+s10+$0x0] =	vst.idx.add.s32.msk $0xffff, v4  }
0x54: {  	v7 =	vtrunc.f32 v7;
	v14 =	vtrunc.f32 v8;
	v8 =	vshll.u32 v6, $0x4;
	[tilespmem:v18+s10+$0x0] =	vst.idx.add.s32.msk $0xffff, v4  }
0x55: {  	v7 =	vcvt.f32.s32 v7;
	v13 =	vtrunc.f32 v13;
	v12 =	vadd.f32 $5.000000000e-01, v12;
	[tilespmem:v10+s10+$0x0] =	vst.idx.add.s32.msk $0xffff, v4  }
0x56: {  	v16 =	vcvt.f32.s32 v9;
	v9 =	vadd.s32 v2, v8;
	[tilespmem:v20+s10+$0x0] =	vst.idx.add.s32.msk $0xffff, v4  }
0x57: {  	v18 =	vcvt.f32.s32 v13;
	v8 =	vshll.u32 v7, $0x4;
	v10 =	vtrunc.f32 v12;
	v23 =	vld [tilespmem:s15+$0xFFFFFFF0]  }
0x58: {  	vm0 =	veq.s32 v5, v7;
	v7 =	vor.u32 v1, v8;
	v10 =	vcvt.f32.s32 v10;
	v19 =	vld [tilespmem:s15+$0x0]  }
.Ltmp1:
0x59: {  	v12 =	vcvt.f32.s32 v14;
	v8 =	vsel vm0, $0x10001, v3;
	v15 =	vld [tilespmem:s15+$0xFFFFFFE0];
	(pc) =	sbr.rel @p0 .LBB2_4-.Ltmp1, $4  }
0x5a: {  	v20 =	vcvt.f32.s32 v11;
	v11 =	vshll.u32 v10, $0x4;
	vm1 =	veq.s32 v21, v10;
	v13 =	vld [tilespmem:s15+$0x30]  }
0x5b: {  	v14 =	vshll.u32 v21, $0x4;
	v10 =	vshll.u32 v16, $0x4;
	v21 =	vor.u32 v1, v11;
	v24 =	vld [tilespmem:s17+$0x30]  }
0x5c: {  	v17 =	vor.u32 v1, v10;
	v11 =	vadd.s32 v2, v14;
	v22 =	vld [tilespmem:s17+$0xFFFFFFC0];
	vm0 =	veq.s32 v23, v12  }
0x5d: {  	v25 =	vsel vm1, $0x10001, v3;
	v14 =	vshll.u32 v23, $0x4;
	v23 =	vshll.u32 v20, $0x4;
	s17 =	sadd.s32 $0x80, s17;
	v10 =	vld [tilespmem:s15+$0xFFFFFFC0]  }
0x5e: {  	_ =	sdelay $0x1  }
0x5f: {  	v26 =	vshll.u32 v18, $0x4;
	v27 =	vshll.u32 v19, $0x4;
	vm1 =	veq.s32 v15, v16  }
0x60: {  	vm2 =	veq.s32 v6, v18;
	v48 =	vor.u32 v1, v23;
	vm13 =	veq.s32 v19, v20  }
0x61: {  	[tilespmem:v21+s10+$0x0] =	vst.idx.add.s32.msk $0xffff, v25;
	v12 =	vshll.u32 v12, $0x4;
	v59 =	vshll.u32 v15, $0x4;
	v26 =	vor.u32 v1, v26  }
0x62: {  	v5 =	vshll.u32 v5, $0x4;
	[tilespmem:v7+s10+$0x0] =	vst.idx.add.s32.msk $0xffff, v8;
	v53 =	vor.u32 v1, v12;
	v24 =	vadd.f32 $5.000000000e-01, v24  }
0x63: {  	v52 =	vsel vm1, $0x10001, v3;
	v54 =	vsel vm13, $0x10001, v3;
	v55 =	vadd.s32 v2, v27;
	[tilespmem:v11+s10+$0x0] =	vst.idx.add.s32.msk $0xffff, v4  }
0x64: {  	v61 =	vadd.s32 v2, v59;
	[tilespmem:v17+s10+$0x0] =	vst.idx.add.s32.msk $0xffff, v52;
	v6 =	vadd.f32 $5.000000000e-01, v22;
	v24 =	vtrunc.f32 v24  }
0x65: {  	v51 =	vsel vm2, $0x10001, v3;
	v5 =	vadd.s32 v2, v5;
	v24 =	vcvt.f32.s32 v24;
	[tilespmem:v48+s10+$0x0] =	vst.idx.add.s32.msk $0xffff, v54  }
0x66: {  	v60 =	vsel vm0, $0x10001, v3;
	v6 =	vtrunc.f32 v6;
	[tilespmem:v26+s10+$0x0] =	vst.idx.add.s32.msk $0xffff, v51  }
0x67: {  	v14 =	vadd.s32 v2, v14;
	v6 =	vcvt.f32.s32 v6;
	[tilespmem:v53+s10+$0x0] =	vst.idx.add.s32.msk $0xffff, v60;
	v49 =	vshll.u32 v24, $0x4  }
0x68: {  	v50 =	vshll.u32 v13, $0x4;
	[tilespmem:v55+s10+$0x0] =	vst.idx.add.s32.msk $0xffff, v4;
	v18 =	vor.u32 v1, v49  }
0x69: {  	v21 =	vadd.s32 v2, v50;
	[tilespmem:v61+s10+$0x0] =	vst.idx.add.s32.msk $0xffff, v4;
	v57 =	vshll.u32 v6, $0x4  }
0x6a: {  	v62 =	vshll.u32 v10, $0x4;
	[tilespmem:v5+s10+$0x0] =	vst.idx.add.s32.msk $0xffff, v4;
	vm14 =	veq.s32 v13, v24;
	v58 =	vor.u32 v1, v57  }
0x6b: {  	[tilespmem:v9+s10+$0x0] =	vst.idx.add.s32.msk $0xffff, v4;
	vm15 =	veq.s32 v10, v6;
	v6 =	vadd.s32 v2, v62  }
0x6c: {  	[tilespmem:v14+s10+$0x0] =	vst.idx.add.s32.msk $0xffff, v4;
	v56 =	vsel vm14, $0x10001, v3  }
0x6d: {  	[tilespmem:v18+s10+$0x0] =	vst.idx.add.s32.msk $0xffff, v56  }
0x6e: {  	v63 =	vsel vm15, $0x10001, v3;
	[tilespmem:v21+s10+$0x0] =	vst.idx.add.s32.msk $0xffff, v4  }
0x6f: {  	[tilespmem:v58+s10+$0x0] =	vst.idx.add.s32.msk $0xffff, v63  }
0x70: {  	[tilespmem:v6+s10+$0x0] =	vst.idx.add.s32.msk $0xffff, v4  }
0x71: {  	s14 =	sadd.s32 $0x1, s14;
	_ =	strace $0x90000049  }
0x72: {  	p0 =	sne.s32 s14, s6;
	_ =	strace $0x8000004A  }
0x73: {  	[hbm4b:s5+s11] =	stream.strided.scatter [tilespmem:s10], [sflag:$0x3], $0x800, s12, s11, $0x200038;
	[tilespmem:$0x10800] =	vst v63  }
.Ltmp2:
0x74: {  	_ = 	snop;
	(pc) =	sbr.rel @p0 .LBB2_1-.Ltmp2, $4  }
0x75: {  	_ =	swait.ge [sflag:s13], $0x800  }
0x76: {  	[sflag:s13] =	ssyncset.done $0x0  }
0x77: {  	[sflag:s13] =	ssyncadd.s32 $0xFFFFF800  }
0x78: {  	_ =	strace $0x9000004A  }
0x79: {  	_ =	sfence.sel $0x180000  }
0x7a: {  	[bflag:$0x0] =	sbarrier.arrive $0xFFFF  }
0x7b: {  	p0 =	sne.s32 s1, $0x0;
	_ =	strace $0x90000047  }
0x7c: {  	s0 =	sadd.s32 @!p0 $0x100000, s0;
	[bflag:$0x2] =	sbarrier.arrive $0xFFFF  }
0x7d: {  	[sflag:s0] =	ssyncadd.tile.s32 @!p0 $0x1;
	_ =	shalt  }
.Lfunc_end2:
_tile_overlayer_lowered:
.L_overlay_start_2:
0x7e: {  	(tag) =	ssettag $0x2  }
0x7f: {  	s0 =	rddreg [dreg:$0x0];
	s2 =	stileid.u32  }
0x80: {  	s1 =	rddreg [dreg:$0x1];
	p0 =	sne.s32 s2, $0x0  }
0x81: {  	s3 =	rddreg [dreg:$0x2];
	[bflag:$0x3] =	sbarrier.arrive $0xFFFF;
	s2 =	simm.s32 @!p0 $0x1C03  }
0x82: {  	[timem:s3], [sflag:s2] =	dma.local @!p0 [hbm:s0], s1  }
0x83: {  	s0 =	simm.s32 @!p0 $0x3  }
0x84: {  	_ =	swait.ge @!p0 [sflag:s0], s1  }
0x85: {  	s1 =	ssub.s32 @!p0 $0x0, s1;
	[sflag:s0] =	ssyncset.done @!p0 $0x0  }
0x86: {  	[sflag:s0] =	ssyncadd.s32 @!p0 s1  }
0x87: {  	[bflag:$0x3] =	sbarrier.arrive $0xFFFF  }
0x88: {  	_ =	shalt  }

</sc_bundles>
